<compile_context>
chip_gen: v7x
topology: tpu7x:2x2x1
jax: 0.10.2.dev20260603
libtpu: 0.0.44.dev20260713+nightly
codegen_flags: <defaults>
</compile_context>

<pallas_src>
import functools

import jax
import jax.numpy as jnp
from jax import lax
from jax.experimental import pallas as pl
from jax.experimental.pallas import tpu as pltpu
from jax.experimental.pallas import tpu_sc as plsc

N = 1024
E = 32768
H = 6
D = 64
FD = H * D
HP = 8
NHP = N * HP
NC = 2
NS = 16
HH = H // NC
EC2 = E // NS
G2 = EC2 // 16
NN = N * N
SLC = NN // NS

_f32 = jnp.float32
_i32 = jnp.int32

_sc_mesh = plsc.VectorSubcoreMesh(core_axis_name="c", subcore_axis_name="s")


@functools.partial(
    pl.kernel,
    out_type=jax.ShapeDtypeStruct((NN,), _f32),
    mesh=_sc_mesh,
    compiler_params=pltpu.CompilerParams(needs_layout_passes=False),
    scratch_types=[
        pltpu.VMEM((EC2,), _i32),
        pltpu.VMEM((EC2,), _i32),
        pltpu.VMEM((EC2,), _f32),
        pltpu.VMEM((EC2,), _i32),
        pltpu.VMEM_SHARED((NN,), _f32),
    ],
)
def _count_edges(src_hbm, dst_hbm, zA_hbm,
                 cnt_out,
                 srcv, dstv, one_v, idx_v, cnt_sh):
    cid = lax.axis_index("c")
    sid = lax.axis_index("s")

    @pl.when(cid == 0)
    def _():
        base = sid * EC2
        pltpu.sync_copy(src_hbm.at[pl.ds(base, EC2)], srcv)
        pltpu.sync_copy(dst_hbm.at[pl.ds(base, EC2)], dstv)
        pltpu.sync_copy(zA_hbm.at[pl.ds(sid * SLC, SLC)],
                        cnt_sh.at[pl.ds(sid * SLC, SLC)])
        plsc.subcore_barrier()

        def body(g, carry):
            e0 = g * 16
            s16 = srcv[pl.ds(e0, 16)]
            d16 = dstv[pl.ds(e0, 16)]
            idx_v[pl.ds(e0, 16)] = s16 * N + d16
            one_v[pl.ds(e0, 16)] = jnp.full((16,), 1.0, _f32)
            return carry

        lax.fori_loop(0, G2, body, 0)
        pltpu.sync_copy(one_v, cnt_sh.at[idx_v], add=True)
        plsc.subcore_barrier()
        pltpu.sync_copy(cnt_sh.at[pl.ds(sid * SLC, SLC)],
                        cnt_out.at[pl.ds(sid * SLC, SLC)])


def _agg_body(cnt_ref, el_ref, sel_ref, erT_ref, feat_ref, out_ref):
    elC2 = jnp.dot(el_ref[...], sel_ref[0],
                   preferred_element_type=_f32,
                   precision=lax.Precision.HIGHEST)
    er2 = erT_ref[0]
    cnt = cnt_ref[...]
    outs = []
    for j in range(2):
        e = elC2[:, j:j + 1] + er2[j:j + 1, :]
        e = jnp.where(e > 0.0, e, 0.2 * e)
        m = jnp.max(jnp.where(cnt > 0.0, e, -jnp.inf),
                    axis=0, keepdims=True)
        m = jnp.where(jnp.isfinite(m), m, 0.0)
        ex = jnp.exp(jnp.minimum(e - m, 0.0))
        Bm = cnt * ex
        den = jnp.sum(Bm, axis=0, keepdims=True)
        Bp = Bm / (den + 1e-10)
        fh = feat_ref[:, j * D:(j + 1) * D]
        f_hi = fh.astype(jnp.bfloat16).astype(_f32)
        f_lo = fh - f_hi
        B_hi = Bp.astype(jnp.bfloat16).astype(_f32)
        B_lo = Bp - B_hi
        dims = (((0,), (0,)), ((), ()))
        o = (lax.dot_general(B_hi, f_hi, dims, preferred_element_type=_f32)
             + lax.dot_general(B_hi, f_lo, dims, preferred_element_type=_f32)
             + lax.dot_general(B_lo, f_hi, dims, preferred_element_type=_f32))
        outs.append(o)
    out_ref[...] = jnp.concatenate(outs, axis=1)


def _agg_dense(cntT, el8, sel3, erT3, feat):
    return pl.pallas_call(
        _agg_body,
        grid=(H // 2,),
        in_specs=[
            pl.BlockSpec((N, N), lambda i: (0, 0)),
            pl.BlockSpec((N, HP), lambda i: (0, 0)),
            pl.BlockSpec((1, HP, 2), lambda i: (i, 0, 0)),
            pl.BlockSpec((1, 2, N), lambda i: (i, 0, 0)),
            pl.BlockSpec((N, 2 * D), lambda i: (0, i)),
        ],
        out_specs=pl.BlockSpec((N, 2 * D), lambda i: (0, i)),
        out_shape=jax.ShapeDtypeStruct((N, FD), _f32),
    )(cntT, el8, sel3, erT3, feat)


def _dense_first_body(h_ref, W_ref, Al_ref, Ar_ref,
                      feat_ref, el_ref, er_ref):
    feat = jnp.dot(h_ref[...], W_ref[...], preferred_element_type=_f32)
    feat_ref[...] = feat
    el = jnp.dot(feat, Al_ref[...], preferred_element_type=_f32, precision=lax.Precision.HIGHEST)
    er = jnp.dot(feat, Ar_ref[...], preferred_element_type=_f32, precision=lax.Precision.HIGHEST)
    el_ref[...] = el
    er_ref[...] = er


def _dense_mid_body(agg_ref, b_ref, W_ref, Al_ref, Ar_ref,
                    feat_ref, el_ref, er_ref):
    x = agg_ref[...] + b_ref[...]
    hh = jnp.where(x > 0.0, x, jnp.exp(x) - 1.0)
    feat = jnp.dot(hh, W_ref[...], preferred_element_type=_f32)
    feat_ref[...] = feat
    el = jnp.dot(feat, Al_ref[...], preferred_element_type=_f32, precision=lax.Precision.HIGHEST)
    er = jnp.dot(feat, Ar_ref[...], preferred_element_type=_f32, precision=lax.Precision.HIGHEST)
    el_ref[...] = el
    er_ref[...] = er


_dense_out_shapes = [
    jax.ShapeDtypeStruct((N, FD), _f32),
    jax.ShapeDtypeStruct((N, HP), _f32),
    jax.ShapeDtypeStruct((N, HP), _f32),
]


def _dense_first(h, W, Al, Ar):
    return pl.pallas_call(_dense_first_body, out_shape=_dense_out_shapes)(
        h, W, Al, Ar)


def _dense_mid(agg, b, W, Al, Ar):
    return pl.pallas_call(_dense_mid_body, out_shape=_dense_out_shapes)(
        agg, b, W, Al, Ar)


def _pair_body(agg_ref, b_ref, M_ref, dist_ref, wp_ref, bp_ref,
               od_ref, adj_ref, logp_ref):
    x = agg_ref[...] + b_ref[...]
    emb = jnp.dot(x, M_ref[...], preferred_element_type=_f32, precision=lax.Precision.HIGHEST)
    bf = jnp.bfloat16
    embb = emb.astype(bf).astype(_f32)
    wpb = wp_ref[...].astype(bf).astype(_f32)
    a_row = lax.dot_general(wpb[0:D, :], embb, (((0,), (1,)), ((), ())),
                            preferred_element_type=_f32, precision=lax.Precision.HIGHEST)
    b_col = jnp.dot(embb, wpb[D:2 * D, :], preferred_element_type=_f32, precision=lax.Precision.HIGHEST)
    wd = wpb[2 * D:2 * D + 1, :]
    distb = dist_ref[...].astype(bf).astype(_f32)
    z = b_col + a_row + wd * distb + bp_ref[...]
    od = jnp.tanh(z)
    od_ref[...] = od
    adj_ref[...] = jnp.where(od > 1.0, od, 0.0)
    s = jnp.sum(od, axis=1, keepdims=True)
    p = od / (s + 1e-10)
    logp_ref[...] = jnp.log(p + 1e-10)


def _pairwise(agg, b, M, distance, Wp, bp):
    return pl.pallas_call(
        _pair_body,
        out_shape=[jax.ShapeDtypeStruct((N, N), _f32)] * 3,
    )(agg, b, M, distance, Wp, bp.reshape(1, 1))


def _head_expand(a):
    rows = jnp.arange(FD)[:, None] // D
    cols = jnp.arange(HP)[None, :]
    return jnp.where(rows == cols, a.reshape(FD, 1), 0.0).astype(_f32)


def kernel(region_attributes, distance, edge_index, W0, al0, ar0, b0,
           W1, al1, ar1, b1, W2, al2, ar2, b2, W3, al3, ar3, b3, Wp, bp):
    src = edge_index[0]
    dst = edge_index[1]
    zA = jnp.zeros((NN,), _f32)
    M = jnp.tile(jnp.eye(D, dtype=_f32) / H, (H, 1))
    eye8 = jnp.eye(HP, dtype=_f32)
    sel3 = jnp.stack([eye8[:, 2 * i:2 * i + 2] for i in range(H // 2)])

    cntT = _count_edges(src, dst, zA).reshape(N, N)

    params = [(W0, al0, ar0, b0), (W1, al1, ar1, b1),
              (W2, al2, ar2, b2), (W3, al3, ar3, b3)]
    agg = None
    for l, (W, al, ar, b) in enumerate(params):
        Al = _head_expand(al)
        Ar = _head_expand(ar)
        if l == 0:
            feat, el, er = _dense_first(region_attributes, W, Al, Ar)
        else:
            bprev = params[l - 1][3].reshape(1, FD)
            feat, el, er = _dense_mid(agg, bprev, W, Al, Ar)
        erT3 = er.T[:H].reshape(H // 2, 2, N)
        agg = _agg_dense(cntT, el, sel3, erT3, feat)
    return _pairwise(agg, b3.reshape(1, FD), M, distance, Wp, bp)

# --- scband reference (transcript-rebuilt; emitter-appended) ---
"""Pipeline reference for scband-generator-12833362280664 (READ-ONLY COPY).

The authoritative reference and input builder live on the scoring server;
editing this copy changes nothing except your own understanding.
"""

import jax, jax.numpy as jnp
import numpy as np

N = 1024
E = 32768
H = 6
D = 64
IN_DIM = 131
IN_DIMS = [131, 384, 384, 384]


def setup_inputs(seed: int = 0) -> dict:
    key = jax.random.key(seed)
    ks = jax.random.split(key, 32)
    inp = {}
    inp['region_attributes'] = jax.random.normal(ks[0], (N, IN_DIM), dtype=jnp.float32)
    inp['distance'] = jax.random.uniform(ks[1], (N, N), dtype=jnp.float32)
    inp['edge_index'] = jax.random.randint(ks[2], (2, E), 0, N, dtype=jnp.int32)
    for i in range(4):
        inp['W%d' % i] = 0.1 * jax.random.normal(ks[3 + 3 * i], (IN_DIMS[i], H * D), dtype=jnp.float32)
        inp['al%d' % i] = 0.1 * jax.random.normal(ks[4 + 3 * i], (H, D), dtype=jnp.float32)
        inp['ar%d' % i] = 0.1 * jax.random.normal(ks[5 + 3 * i], (H, D), dtype=jnp.float32)
        inp['b%d' % i] = jnp.zeros((H * D,), dtype=jnp.float32)
    inp['Wp'] = 0.1 * jax.random.normal(ks[20], (2 * D + 1, 1), dtype=jnp.float32)
    inp['bp'] = jnp.zeros((1,), dtype=jnp.float32)
    return inp


def _gat_layer(h, src, dst, W, al, ar, b, act):
    feat = (h @ W).reshape(N, H, D)
    el = jnp.sum(feat * al[None, :, :], axis=-1)
    er = jnp.sum(feat * ar[None, :, :], axis=-1)
    e = jax.nn.leaky_relu(el[src] + er[dst], negative_slope=0.2)
    m = jax.ops.segment_max(e, dst, num_segments=N)
    m = jnp.where(jnp.isfinite(m), m, 0.0)
    ex = jnp.exp(e - m[dst])
    denom = jax.ops.segment_sum(ex, dst, num_segments=N)
    alpha = ex / (denom[dst] + 1e-10)
    msg = feat[src] * alpha[:, :, None]
    out = jax.ops.segment_sum(msg, dst, num_segments=N)
    out = out + b.reshape(1, H, D)
    if act:
        out = jax.nn.elu(out)
    return out


def reference(region_attributes, distance, edge_index, W0, al0, ar0, b0, W1, al1, ar1, b1, W2, al2, ar2, b2, W3, al3, ar3, b3, Wp, bp):
    src = edge_index[0]
    dst = edge_index[1]
    h = region_attributes
    for (W, al, ar, b) in [(W0, al0, ar0, b0), (W1, al1, ar1, b1), (W2, al2, ar2, b2)]:
        h = _gat_layer(h, src, dst, W, al, ar, b, True).reshape(N, H * D)
    emb = _gat_layer(h, src, dst, W3, al3, ar3, b3, False).mean(axis=1)
    emb1 = jnp.broadcast_to(emb[None, :, :], (N, N, D))
    emb2 = jnp.broadcast_to(emb[:, None, :], (N, N, D))
    pair = jnp.concatenate([emb1, emb2, distance[:, :, None]], axis=2)
    OD = jnp.tanh((pair @ Wp + bp[None, None, :]).squeeze(-1))
    adjacency = jnp.where(OD > 1.0, OD, 0.0)
    p = OD / (jnp.sum(OD, axis=1, keepdims=True) + 1e-10)
    logp = jnp.log(p + 1e-10)
    return (OD, adjacency, logp)

if __name__ == "__main__":
    import jax
    _d = setup_inputs()
    print(jax.jit(kernel)(*tuple(_d.values())))

</pallas_src>

<mosaic_0001>
#map = affine_map<(d0, d1) -> (0)>
module attributes {stable_mosaic.version = 14 : i64} {
  func.func @_count_edges(%arg0: i32, %arg1: i32, %arg2: memref<32768xi32, #tpu.memory_space<hbm>>, %arg3: memref<32768xi32, #tpu.memory_space<hbm>>, %arg4: memref<1048576xf32, #tpu.memory_space<hbm>>, %arg5: memref<1048576xf32, #tpu.memory_space<hbm>>, %arg6: memref<2048xi32, #tpu.memory_space<vmem>>, %arg7: memref<2048xi32, #tpu.memory_space<vmem>>, %arg8: memref<2048xf32, #tpu.memory_space<vmem>>, %arg9: memref<2048xi32, #tpu.memory_space<vmem>>, %arg10: memref<1048576xf32, #tpu.memory_space<vmem_shared>>) attributes {dimension_semantics = [#tpu.dimension_semantics<core_parallel>, #tpu.dimension_semantics<subcore_parallel>], iteration_bounds = array<i64: 2, 16>, scalar_prefetch = 0 : i64, scratch_operands = 5 : i64, tpu.core_type = #tpu.core_type<sc_vector_subcore>, window_params = [{transform_indices = #map}, {transform_indices = #map}, {transform_indices = #map}, {transform_indices = #map}]} {
    %eq3A = arith.constant 0 : i32
    %eq3A_0 = arith.cmpi eq, %arg0, %eq3A : i32
    %convert_element_type3A = arith.extui %eq3A_0 : i1 to i32
    %cond3A = arith.constant 0 : i32
    %cond3A_1 = arith.cmpi ne, %convert_element_type3A, %cond3A : i32
    scf.if %cond3A_1 {
      %mul3A = arith.constant 2048 : i32
      %mul3A_2 = arith.muli %arg1, %mul3A : i32
      "tpu.region"() ({
        %run_scoped3A = tpu.sem_alloc : memref<!tpu.dma_semaphore, #tpu.memory_space<semaphore_mem>>
        %dma_start3A = tpu.memref_slice %arg2[%mul3A_2] : memref<32768xi32, #tpu.memory_space<hbm>> -> memref<2048xi32, #tpu.memory_space<hbm>>
        %dma_start3A_17 = tpu.memref_slice %arg2[%mul3A_2] : memref<32768xi32, #tpu.memory_space<hbm>> -> memref<2048xi32, #tpu.memory_space<hbm>>
        tpu.enqueue_dma source(%dma_start3A_17 : memref<2048xi32, #tpu.memory_space<hbm>>) target(%arg6 : memref<2048xi32, #tpu.memory_space<vmem>>) target_semaphore(%run_scoped3A : memref<!tpu.dma_semaphore, #tpu.memory_space<semaphore_mem>>)
        %dma_wait3A = tpu.memref_slice %arg2[%mul3A_2] : memref<32768xi32, #tpu.memory_space<hbm>> -> memref<2048xi32, #tpu.memory_space<hbm>>
        %dma_wait3A_18 = tpu.memref_slice %arg2[%mul3A_2] : memref<32768xi32, #tpu.memory_space<hbm>> -> memref<2048xi32, #tpu.memory_space<hbm>>
        tpu.wait_dma2 semaphore(%run_scoped3A : memref<!tpu.dma_semaphore, #tpu.memory_space<semaphore_mem>>) src(%dma_wait3A_18 : memref<2048xi32, #tpu.memory_space<hbm>>) dst(%arg6 : memref<2048xi32, #tpu.memory_space<vmem>>)
        tpu.yield
      }) : () -> ()
      "tpu.region"() ({
        %run_scoped3A = tpu.sem_alloc : memref<!tpu.dma_semaphore, #tpu.memory_space<semaphore_mem>>
        %dma_start3A = tpu.memref_slice %arg3[%mul3A_2] : memref<32768xi32, #tpu.memory_space<hbm>> -> memref<2048xi32, #tpu.memory_space<hbm>>
        %dma_start3A_17 = tpu.memref_slice %arg3[%mul3A_2] : memref<32768xi32, #tpu.memory_space<hbm>> -> memref<2048xi32, #tpu.memory_space<hbm>>
        tpu.enqueue_dma source(%dma_start3A_17 : memref<2048xi32, #tpu.memory_space<hbm>>) target(%arg7 : memref<2048xi32, #tpu.memory_space<vmem>>) target_semaphore(%run_scoped3A : memref<!tpu.dma_semaphore, #tpu.memory_space<semaphore_mem>>)
        %dma_wait3A = tpu.memref_slice %arg3[%mul3A_2] : memref<32768xi32, #tpu.memory_space<hbm>> -> memref<2048xi32, #tpu.memory_space<hbm>>
        %dma_wait3A_18 = tpu.memref_slice %arg3[%mul3A_2] : memref<32768xi32, #tpu.memory_space<hbm>> -> memref<2048xi32, #tpu.memory_space<hbm>>
        tpu.wait_dma2 semaphore(%run_scoped3A : memref<!tpu.dma_semaphore, #tpu.memory_space<semaphore_mem>>) src(%dma_wait3A_18 : memref<2048xi32, #tpu.memory_space<hbm>>) dst(%arg7 : memref<2048xi32, #tpu.memory_space<vmem>>)
        tpu.yield
      }) : () -> ()
      %mul3A_3 = arith.constant 65536 : i32
      %mul3A_4 = arith.muli %arg1, %mul3A_3 : i32
      %mul3A_5 = arith.constant 65536 : i32
      %mul3A_6 = arith.muli %arg1, %mul3A_5 : i32
      "tpu.region"() ({
        %run_scoped3A = tpu.sem_alloc : memref<!tpu.dma_semaphore, #tpu.memory_space<semaphore_mem>>
        %dma_start3A = tpu.memref_slice %arg10[%mul3A_6] : memref<1048576xf32, #tpu.memory_space<vmem_shared>> -> memref<65536xf32, #tpu.memory_space<vmem_shared>>
        %dma_start3A_17 = tpu.memref_slice %arg4[%mul3A_4] : memref<1048576xf32, #tpu.memory_space<hbm>> -> memref<65536xf32, #tpu.memory_space<hbm>>
        tpu.enqueue_dma source(%dma_start3A_17 : memref<65536xf32, #tpu.memory_space<hbm>>) target(%dma_start3A : memref<65536xf32, #tpu.memory_space<vmem_shared>>) target_semaphore(%run_scoped3A : memref<!tpu.dma_semaphore, #tpu.memory_space<semaphore_mem>>)
        %dma_wait3A = tpu.memref_slice %arg10[%mul3A_6] : memref<1048576xf32, #tpu.memory_space<vmem_shared>> -> memref<65536xf32, #tpu.memory_space<vmem_shared>>
        %dma_wait3A_18 = tpu.memref_slice %arg4[%mul3A_4] : memref<1048576xf32, #tpu.memory_space<hbm>> -> memref<65536xf32, #tpu.memory_space<hbm>>
        tpu.wait_dma2 semaphore(%run_scoped3A : memref<!tpu.dma_semaphore, #tpu.memory_space<semaphore_mem>>) src(%dma_wait3A_18 : memref<65536xf32, #tpu.memory_space<hbm>>) dst(%dma_wait3A : memref<65536xf32, #tpu.memory_space<vmem_shared>>)
        tpu.yield
      }) : () -> ()
      %barrier3A = arith.constant 0 : index
      tpu.barrier barrier_id(%barrier3A)
      %scan3A = arith.constant 0 : i32
      %scan3A_7 = arith.constant 0 : i32
      %scan3A_8 = arith.constant 128 : i32
      %scan3A_9 = arith.addi %scan3A_7, %scan3A_8 : i32
      %scan3A_10 = arith.constant 1 : i32
      scf.for %scan3A_17 = %scan3A_7 to %scan3A_9 step %scan3A_10  : i32 {
        %mul3A_18 = arith.constant 16 : i32
        %mul3A_19 = arith.muli %scan3A_17, %mul3A_18 : i32
        %get3A = arith.index_cast %mul3A_19 : i32 to index
        %get3A_20 = tpu.vector_load %arg6[%get3A] {strides = array<i32>} : memref<2048xi32, #tpu.memory_space<vmem>>, vector<16xi32>,
        %get3A_21 = arith.index_cast %mul3A_19 : i32 to index
        %get3A_22 = tpu.vector_load %arg7[%get3A_21] {strides = array<i32>} : memref<2048xi32, #tpu.memory_space<vmem>>, vector<16xi32>,
        %mul3A_23 = arith.constant 1024 : i32
        %mul3A_24 = vector.broadcast %mul3A_23 : i32 to vector<16xi32>
        %mul3A_25 = arith.muli %get3A_20, %mul3A_24 : vector<16xi32>
        %add3A = arith.addi %mul3A_25, %get3A_22 : vector<16xi32>
        %swap3A = arith.index_cast %mul3A_19 : i32 to index
        %swap3A_26 = tpu.vector_load %arg9[%swap3A] {strides = array<i32>} : memref<2048xi32, #tpu.memory_space<vmem>>, vector<16xi32>,
        tpu.vector_store %arg9[%swap3A], %add3A {strides = array<i32>} : memref<2048xi32, #tpu.memory_space<vmem>>, vector<16xi32>,
        %broadcast_in_dim3A = arith.constant 1.000000e+00 : f32
        %broadcast_in_dim3A_27 = vector.broadcast %broadcast_in_dim3A : f32 to vector<16xf32>
        %swap3A_28 = arith.index_cast %mul3A_19 : i32 to index
        %swap3A_29 = tpu.vector_load %arg8[%swap3A_28] {strides = array<i32>} : memref<2048xf32, #tpu.memory_space<vmem>>, vector<16xf32>,
        tpu.vector_store %arg8[%swap3A_28], %broadcast_in_dim3A_27 {strides = array<i32>} : memref<2048xf32, #tpu.memory_space<vmem>>, vector<16xf32>,
      }
      %scan3A_11 = arith.constant 128 : i32
      "tpu.region"() ({
        %run_scoped3A = tpu.sem_alloc : memref<!tpu.dma_semaphore, #tpu.memory_space<semaphore_mem>>
        %dma_start3A = arith.constant 0 : i32
        %dma_start3A_17 = tpu.memref_slice %arg10[%dma_start3A] : memref<1048576xf32, #tpu.memory_space<vmem_shared>> -> memref<1048576xf32, #tpu.memory_space<vmem_shared>>
        tpu.enqueue_indirect_dma source(%arg8 : memref<2048xf32, #tpu.memory_space<vmem>>) target(%dma_start3A_17 : memref<1048576xf32, #tpu.memory_space<vmem_shared>>) offsets(%arg9 : memref<2048xi32, #tpu.memory_space<vmem>>) semaphore(%run_scoped3A : memref<!tpu.dma_semaphore, #tpu.memory_space<semaphore_mem>>) {add = true}
        %dma_wait3A = arith.constant 0 : i32
        %dma_wait3A_18 = tpu.memref_slice %arg10[%dma_wait3A] : memref<1048576xf32, #tpu.memory_space<vmem_shared>> -> memref<1048576xf32, #tpu.memory_space<vmem_shared>>
        tpu.wait_indirect_dma semaphore(%run_scoped3A : memref<!tpu.dma_semaphore, #tpu.memory_space<semaphore_mem>>) src(%arg8 : memref<2048xf32, #tpu.memory_space<vmem>>) dst(%dma_wait3A_18 : memref<1048576xf32, #tpu.memory_space<vmem_shared>>)
        tpu.yield
      }) : () -> ()
      %barrier3A_12 = arith.constant 0 : index
      tpu.barrier barrier_id(%barrier3A_12)
      %mul3A_13 = arith.constant 65536 : i32
      %mul3A_14 = arith.muli %arg1, %mul3A_13 : i32
      %mul3A_15 = arith.constant 65536 : i32
      %mul3A_16 = arith.muli %arg1, %mul3A_15 : i32
      "tpu.region"() ({
        %run_scoped3A = tpu.sem_alloc : memref<!tpu.dma_semaphore, #tpu.memory_space<semaphore_mem>>
        %dma_start3A = tpu.memref_slice %arg5[%mul3A_16] : memref<1048576xf32, #tpu.memory_space<hbm>> -> memref<65536xf32, #tpu.memory_space<hbm>>
        %dma_start3A_17 = tpu.memref_slice %arg10[%mul3A_14] : memref<1048576xf32, #tpu.memory_space<vmem_shared>> -> memref<65536xf32, #tpu.memory_space<vmem_shared>>
        tpu.enqueue_dma source(%dma_start3A_17 : memref<65536xf32, #tpu.memory_space<vmem_shared>>) target(%dma_start3A : memref<65536xf32, #tpu.memory_space<hbm>>) target_semaphore(%run_scoped3A : memref<!tpu.dma_semaphore, #tpu.memory_space<semaphore_mem>>)
        %dma_wait3A = tpu.memref_slice %arg5[%mul3A_16] : memref<1048576xf32, #tpu.memory_space<hbm>> -> memref<65536xf32, #tpu.memory_space<hbm>>
        %dma_wait3A_18 = tpu.memref_slice %arg10[%mul3A_14] : memref<1048576xf32, #tpu.memory_space<vmem_shared>> -> memref<65536xf32, #tpu.memory_space<vmem_shared>>
        tpu.wait_dma2 semaphore(%run_scoped3A : memref<!tpu.dma_semaphore, #tpu.memory_space<semaphore_mem>>) src(%dma_wait3A_18 : memref<65536xf32, #tpu.memory_space<vmem_shared>>) dst(%dma_wait3A : memref<65536xf32, #tpu.memory_space<hbm>>)
        tpu.yield
      }) : () -> ()
    } else {
    }
    return
  }
}

module attributes {stable_mosaic.version = 14 : i64} {
  func.func @_dense_first_body(%arg0: memref<1024x131xf32, #tpu.memory_space<vmem>>, %arg1: memref<131x384xf32, #tpu.memory_space<vmem>>, %arg2: memref<384x8xf32, #tpu.memory_space<vmem>>, %arg3: memref<384x8xf32, #tpu.memory_space<vmem>>, %arg4: memref<1024x384xf32, #tpu.memory_space<vmem>>, %arg5: memref<1024x8xf32, #tpu.memory_space<vmem>>, %arg6: memref<1024x8xf32, #tpu.memory_space<vmem>>) attributes {dimension_semantics = [], scalar_prefetch = 0 : i64, scratch_operands = 0 : i64, tpu.core_type = #tpu.core_type<tc>} {
    %get3A = arith.constant 0 : index
    %get3A_0 = arith.constant 0 : index
    %get3A_1 = vector.load %arg0[%get3A, %get3A_0] : memref<1024x131xf32, #tpu.memory_space<vmem>>, vector<1024x131xf32>
    %get3A_2 = arith.constant 0 : index
    %get3A_3 = arith.constant 0 : index
    %get3A_4 = vector.load %arg1[%get3A_2, %get3A_3] : memref<131x384xf32, #tpu.memory_space<vmem>>, vector<131x384xf32>
    %dot_general3A = arith.constant dense<0.000000e+00> : vector<1024x384xf32>
    %dot_general3A_5 = tpu.matmul %get3A_1, %get3A_4, %dot_general3A {dimension_numbers = #tpu.dot_dimension_numbers<[1], [0], [0], [1], [0, 0, 1, 1], [], []>, transpose_lhs_hint = false} : vector<1024x131xf32>, vector<131x384xf32>, vector<1024x384xf32> -> vector<1024x384xf32>
    %swap3A = arith.constant 0 : index
    %swap3A_6 = arith.constant 0 : index
    %swap3A_7 = vector.load %arg4[%swap3A, %swap3A_6] : memref<1024x384xf32, #tpu.memory_space<vmem>>, vector<1024x384xf32>
    tpu.vector_store %arg4[%swap3A, %swap3A_6], %dot_general3A_5 {strides = array<i32>} : memref<1024x384xf32, #tpu.memory_space<vmem>>, vector<1024x384xf32>,
    %get3A_8 = arith.constant 0 : index
    %get3A_9 = arith.constant 0 : index
    %get3A_10 = vector.load %arg2[%get3A_8, %get3A_9] : memref<384x8xf32, #tpu.memory_space<vmem>>, vector<384x8xf32>
    %dot_general3A_11 = arith.constant dense<0.000000e+00> : vector<1024x8xf32>
    %dot_general3A_12 = tpu.matmul %dot_general3A_5, %get3A_10, %dot_general3A_11 {dimension_numbers = #tpu.dot_dimension_numbers<[1], [0], [0], [1], [0, 0, 1, 1], [], []>, precision = #tpu.contract_precision<fp32>, transpose_lhs_hint = false} : vector<1024x384xf32>, vector<384x8xf32>, vector<1024x8xf32> -> vector<1024x8xf32>
    %get3A_13 = arith.constant 0 : index
    %get3A_14 = arith.constant 0 : index
    %get3A_15 = vector.load %arg3[%get3A_13, %get3A_14] : memref<384x8xf32, #tpu.memory_space<vmem>>, vector<384x8xf32>
    %dot_general3A_16 = arith.constant dense<0.000000e+00> : vector<1024x8xf32>
    %dot_general3A_17 = tpu.matmul %dot_general3A_5, %get3A_15, %dot_general3A_16 {dimension_numbers = #tpu.dot_dimension_numbers<[1], [0], [0], [1], [0, 0, 1, 1], [], []>, precision = #tpu.contract_precision<fp32>, transpose_lhs_hint = false} : vector<1024x384xf32>, vector<384x8xf32>, vector<1024x8xf32> -> vector<1024x8xf32>
    %swap3A_18 = arith.constant 0 : index
    %swap3A_19 = arith.constant 0 : index
    %swap3A_20 = vector.load %arg5[%swap3A_18, %swap3A_19] : memref<1024x8xf32, #tpu.memory_space<vmem>>, vector<1024x8xf32>
    tpu.vector_store %arg5[%swap3A_18, %swap3A_19], %dot_general3A_12 {strides = array<i32>} : memref<1024x8xf32, #tpu.memory_space<vmem>>, vector<1024x8xf32>,
    %swap3A_21 = arith.constant 0 : index
    %swap3A_22 = arith.constant 0 : index
    %swap3A_23 = vector.load %arg6[%swap3A_21, %swap3A_22] : memref<1024x8xf32, #tpu.memory_space<vmem>>, vector<1024x8xf32>
    tpu.vector_store %arg6[%swap3A_21, %swap3A_22], %dot_general3A_17 {strides = array<i32>} : memref<1024x8xf32, #tpu.memory_space<vmem>>, vector<1024x8xf32>,
    return
  }
}

module attributes {stable_mosaic.version = 14 : i64} {
  func.func @_dense_mid_body(%arg0: memref<1024x384xf32, #tpu.memory_space<vmem>>, %arg1: memref<1x384xf32, #tpu.memory_space<vmem>>, %arg2: memref<384x384xf32, #tpu.memory_space<vmem>>, %arg3: memref<384x8xf32, #tpu.memory_space<vmem>>, %arg4: memref<384x8xf32, #tpu.memory_space<vmem>>, %arg5: memref<1024x384xf32, #tpu.memory_space<vmem>>, %arg6: memref<1024x8xf32, #tpu.memory_space<vmem>>, %arg7: memref<1024x8xf32, #tpu.memory_space<vmem>>) attributes {dimension_semantics = [], scalar_prefetch = 0 : i64, scratch_operands = 0 : i64, tpu.core_type = #tpu.core_type<tc>} {
    %get3A = arith.constant 0 : index
    %get3A_0 = arith.constant 0 : index
    %get3A_1 = vector.load %arg0[%get3A, %get3A_0] : memref<1024x384xf32, #tpu.memory_space<vmem>>, vector<1024x384xf32>
    %get3A_2 = arith.constant 0 : index
    %get3A_3 = arith.constant 0 : index
    %get3A_4 = vector.load %arg1[%get3A_2, %get3A_3] : memref<1x384xf32, #tpu.memory_space<vmem>>, vector<1x384xf32>
    %add3A = vector.broadcast %get3A_4 : vector<1x384xf32> to vector<1024x384xf32>
    %add3A_5 = arith.addf %get3A_1, %add3A : vector<1024x384xf32>
    %gt3A = arith.constant 0.000000e+00 : f32
    %gt3A_6 = vector.broadcast %gt3A : f32 to vector<1024x384xf32>
    %gt3A_7 = arith.cmpf ogt, %add3A_5, %gt3A_6 : vector<1024x384xf32>
    %exp3A = math.exp %add3A_5 : vector<1024x384xf32>
    %sub3A = arith.constant 1.000000e+00 : f32
    %sub3A_8 = vector.broadcast %sub3A : f32 to vector<1024x384xf32>
    %sub3A_9 = arith.subf %exp3A, %sub3A_8 : vector<1024x384xf32>
    %select_n3A = arith.select %gt3A_7, %add3A_5, %sub3A_9 : vector<1024x384xi1>, vector<1024x384xf32>
    %get3A_10 = arith.constant 0 : index
    %get3A_11 = arith.constant 0 : index
    %get3A_12 = vector.load %arg2[%get3A_10, %get3A_11] : memref<384x384xf32, #tpu.memory_space<vmem>>, vector<384x384xf32>
    %dot_general3A = arith.constant dense<0.000000e+00> : vector<1024x384xf32>
    %dot_general3A_13 = tpu.matmul %select_n3A, %get3A_12, %dot_general3A {dimension_numbers = #tpu.dot_dimension_numbers<[1], [0], [0], [1], [0, 0, 1, 1], [], []>, transpose_lhs_hint = false} : vector<1024x384xf32>, vector<384x384xf32>, vector<1024x384xf32> -> vector<1024x384xf32>
    %swap3A = arith.constant 0 : index
    %swap3A_14 = arith.constant 0 : index
    %swap3A_15 = vector.load %arg5[%swap3A, %swap3A_14] : memref<1024x384xf32, #tpu.memory_space<vmem>>, vector<1024x384xf32>
    tpu.vector_store %arg5[%swap3A, %swap3A_14], %dot_general3A_13 {strides = array<i32>} : memref<1024x384xf32, #tpu.memory_space<vmem>>, vector<1024x384xf32>,
    %get3A_16 = arith.constant 0 : index
    %get3A_17 = arith.constant 0 : index
    %get3A_18 = vector.load %arg3[%get3A_16, %get3A_17] : memref<384x8xf32, #tpu.memory_space<vmem>>, vector<384x8xf32>
    %dot_general3A_19 = arith.constant dense<0.000000e+00> : vector<1024x8xf32>
    %dot_general3A_20 = tpu.matmul %dot_general3A_13, %get3A_18, %dot_general3A_19 {dimension_numbers = #tpu.dot_dimension_numbers<[1], [0], [0], [1], [0, 0, 1, 1], [], []>, precision = #tpu.contract_precision<fp32>, transpose_lhs_hint = false} : vector<1024x384xf32>, vector<384x8xf32>, vector<1024x8xf32> -> vector<1024x8xf32>
    %get3A_21 = arith.constant 0 : index
    %get3A_22 = arith.constant 0 : index
    %get3A_23 = vector.load %arg4[%get3A_21, %get3A_22] : memref<384x8xf32, #tpu.memory_space<vmem>>, vector<384x8xf32>
    %dot_general3A_24 = arith.constant dense<0.000000e+00> : vector<1024x8xf32>
    %dot_general3A_25 = tpu.matmul %dot_general3A_13, %get3A_23, %dot_general3A_24 {dimension_numbers = #tpu.dot_dimension_numbers<[1], [0], [0], [1], [0, 0, 1, 1], [], []>, precision = #tpu.contract_precision<fp32>, transpose_lhs_hint = false} : vector<1024x384xf32>, vector<384x8xf32>, vector<1024x8xf32> -> vector<1024x8xf32>
    %swap3A_26 = arith.constant 0 : index
    %swap3A_27 = arith.constant 0 : index
    %swap3A_28 = vector.load %arg6[%swap3A_26, %swap3A_27] : memref<1024x8xf32, #tpu.memory_space<vmem>>, vector<1024x8xf32>
    tpu.vector_store %arg6[%swap3A_26, %swap3A_27], %dot_general3A_20 {strides = array<i32>} : memref<1024x8xf32, #tpu.memory_space<vmem>>, vector<1024x8xf32>,
    %swap3A_29 = arith.constant 0 : index
    %swap3A_30 = arith.constant 0 : index
    %swap3A_31 = vector.load %arg7[%swap3A_29, %swap3A_30] : memref<1024x8xf32, #tpu.memory_space<vmem>>, vector<1024x8xf32>
    tpu.vector_store %arg7[%swap3A_29, %swap3A_30], %dot_general3A_25 {strides = array<i32>} : memref<1024x8xf32, #tpu.memory_space<vmem>>, vector<1024x8xf32>,
    return
  }
}

module attributes {stable_mosaic.version = 14 : i64} {
  func.func @_agg_body(%arg0: i32, %arg1: memref<1024x1024xf32, #tpu.memory_space<vmem>>, %arg2: memref<1024x8xf32, #tpu.memory_space<vmem>>, %arg3: memref<1x8x2xf32, #tpu.memory_space<vmem>>, %arg4: memref<1x2x1024xf32, #tpu.memory_space<vmem>>, %arg5: memref<1024x128xf32, #tpu.memory_space<vmem>>, %arg6: memref<1024x128xf32, #tpu.memory_space<vmem>>) attributes {dimension_semantics = [#tpu.dimension_semantics<arbitrary>], iteration_bounds = array<i64: 3>, scalar_prefetch = 0 : i64, scratch_operands = 0 : i64, tpu.core_type = #tpu.core_type<tc>, window_params = [{pipeline_mode = #tpu.pipeline_mode<synchronous>, transform_indices = @transform_0, window_bounds = array<i64: 1024, 1024>}, {pipeline_mode = #tpu.pipeline_mode<synchronous>, transform_indices = @transform_1, window_bounds = array<i64: 1024, 8>}, {transform_indices = @transform_2, window_bounds = array<i64: 1, 8, 2>}, {transform_indices = @transform_3, window_bounds = array<i64: 1, 2, 1024>}, {transform_indices = @transform_4, window_bounds = array<i64: 1024, 128>}, {transform_indices = @transform_5, window_bounds = array<i64: 1024, 128>}]} {
    %get3A = arith.constant 0 : index
    %get3A_0 = arith.constant 0 : index
    %get3A_1 = vector.load %arg2[%get3A, %get3A_0] : memref<1024x8xf32, #tpu.memory_space<vmem>>, vector<1024x8xf32>
    %get3A_2 = arith.constant 0 : index
    %get3A_3 = arith.constant 0 : index
    %get3A_4 = arith.constant 0 : index
    %get3A_5 = vector.load %arg3[%get3A_2, %get3A_3, %get3A_4] : memref<1x8x2xf32, #tpu.memory_space<vmem>>, vector<1x8x2xf32>
    %get3A_6 = vector.shape_cast %get3A_5 : vector<1x8x2xf32> to vector<8x2xf32>
    %dot_general3A = arith.constant dense<0.000000e+00> : vector<1024x2xf32>
    %dot_general3A_7 = tpu.matmul %get3A_1, %get3A_6, %dot_general3A {dimension_numbers = #tpu.dot_dimension_numbers<[1], [0], [0], [1], [0, 0, 1, 1], [], []>, precision = #tpu.contract_precision<fp32>, transpose_lhs_hint = false} : vector<1024x8xf32>, vector<8x2xf32>, vector<1024x2xf32> -> vector<1024x2xf32>
    %get3A_8 = arith.constant 0 : index
    %get3A_9 = arith.constant 0 : index
    %get3A_10 = arith.constant 0 : index
    %get3A_11 = vector.load %arg4[%get3A_8, %get3A_9, %get3A_10] : memref<1x2x1024xf32, #tpu.memory_space<vmem>>, vector<1x2x1024xf32>
    %get3A_12 = vector.shape_cast %get3A_11 : vector<1x2x1024xf32> to vector<2x1024xf32>
    %get3A_13 = arith.constant 0 : index
    %get3A_14 = arith.constant 0 : index
    %get3A_15 = vector.load %arg1[%get3A_13, %get3A_14] : memref<1024x1024xf32, #tpu.memory_space<vmem>>, vector<1024x1024xf32>
    %slice3A = vector.extract_strided_slice %dot_general3A_7 {offsets = [0, 0], sizes = [1024, 1], strides = [1, 1]} : vector<1024x2xf32> to vector<1024x1xf32>
    %slice3A_16 = vector.extract_strided_slice %get3A_12 {offsets = [0, 0], sizes = [1, 1024], strides = [1, 1]} : vector<2x1024xf32> to vector<1x1024xf32>
    %add3A = vector.broadcast %slice3A : vector<1024x1xf32> to vector<1024x1024xf32>
    %add3A_17 = vector.broadcast %slice3A_16 : vector<1x1024xf32> to vector<1024x1024xf32>
    %add3A_18 = arith.addf %add3A, %add3A_17 : vector<1024x1024xf32>
    %gt3A = arith.constant 0.000000e+00 : f32
    %gt3A_19 = vector.broadcast %gt3A : f32 to vector<1024x1024xf32>
    %gt3A_20 = arith.cmpf ogt, %add3A_18, %gt3A_19 : vector<1024x1024xf32>
    %mul3A = arith.constant 2.000000e-01 : f32
    %mul3A_21 = vector.broadcast %mul3A : f32 to vector<1024x1024xf32>
    %mul3A_22 = arith.mulf %mul3A_21, %add3A_18 : vector<1024x1024xf32>
    %select_n3A = arith.select %gt3A_20, %add3A_18, %mul3A_22 : vector<1024x1024xi1>, vector<1024x1024xf32>
    %gt3A_23 = arith.constant 0.000000e+00 : f32
    %gt3A_24 = vector.broadcast %gt3A_23 : f32 to vector<1024x1024xf32>
    %gt3A_25 = arith.cmpf ogt, %get3A_15, %gt3A_24 : vector<1024x1024xf32>
    %jit3A = arith.constant 0xFF800000 : f32
    %broadcast_in_dim3A = vector.broadcast %jit3A : f32 to vector<1024x1024xf32>
    %select_n3A_26 = arith.select %gt3A_25, %select_n3A, %broadcast_in_dim3A : vector<1024x1024xi1>, vector<1024x1024xf32>
    %reduce_max3A = arith.constant dense<0xFF800000> : vector<1024xf32>
    %reduce_max3A_27 = vector.multi_reduction <maximumf>, %select_n3A_26, %reduce_max3A [0] : vector<1024x1024xf32> to vector<1024xf32>
    %broadcast_in_dim3A_28 = vector.shape_cast %reduce_max3A_27 : vector<1024xf32> to vector<1x1024xf32>
    %is_finite3A = tpu.weird %broadcast_in_dim3A_28 : vector<1x1024xf32> -> vector<1x1024xi1>
    %is_finite3A_29 = arith.constant dense<true> : vector<1x1024xi1>
    %is_finite3A_30 = arith.xori %is_finite3A, %is_finite3A_29 : vector<1x1024xi1>
    %jit3A_31 = arith.constant 0.000000e+00 : f32
    %broadcast_in_dim3A_32 = vector.broadcast %jit3A_31 : f32 to vector<1x1024xf32>
    %select_n3A_33 = arith.select %is_finite3A_30, %broadcast_in_dim3A_28, %broadcast_in_dim3A_32 : vector<1x1024xi1>, vector<1x1024xf32>
    %sub3A = vector.broadcast %select_n3A_33 : vector<1x1024xf32> to vector<1024x1024xf32>
    %sub3A_34 = arith.subf %select_n3A, %sub3A : vector<1024x1024xf32>
    %min3A = arith.constant 0.000000e+00 : f32
    %min3A_35 = vector.broadcast %min3A : f32 to vector<1024x1024xf32>
    %min3A_36 = arith.minimumf %sub3A_34, %min3A_35 : vector<1024x1024xf32>
    %exp3A = math.exp %min3A_36 : vector<1024x1024xf32>
    %mul3A_37 = arith.mulf %get3A_15, %exp3A : vector<1024x1024xf32>
    %reduce_sum3A = arith.constant dense<0.000000e+00> : vector<1024xf32>
    %reduce_sum3A_38 = vector.multi_reduction <add>, %mul3A_37, %reduce_sum3A [0] : vector<1024x1024xf32> to vector<1024xf32>
    %broadcast_in_dim3A_39 = vector.shape_cast %reduce_sum3A_38 : vector<1024xf32> to vector<1x1024xf32>
    %add3A_40 = arith.constant 1.000000e-10 : f32
    %add3A_41 = vector.broadcast %add3A_40 : f32 to vector<1x1024xf32>
    %add3A_42 = arith.addf %broadcast_in_dim3A_39, %add3A_41 : vector<1x1024xf32>
    %div3A = vector.broadcast %add3A_42 : vector<1x1024xf32> to vector<1024x1024xf32>
    %div3A_43 = arith.divf %mul3A_37, %div3A : vector<1024x1024xf32>
    %get3A_44 = arith.constant 0 : index
    %get3A_45 = arith.constant 0 : index
    %get3A_46 = vector.load %arg5[%get3A_44, %get3A_45] : memref<1024x128xf32, #tpu.memory_space<vmem>>, vector<1024x64xf32>
    %convert_element_type3A = arith.truncf %get3A_46 : vector<1024x64xf32> to vector<1024x64xbf16>
    %convert_element_type3A_47 = arith.extf %convert_element_type3A : vector<1024x64xbf16> to vector<1024x64xf32>
    %sub3A_48 = arith.subf %get3A_46, %convert_element_type3A_47 : vector<1024x64xf32>
    %convert_element_type3A_49 = arith.truncf %div3A_43 : vector<1024x1024xf32> to vector<1024x1024xbf16>
    %convert_element_type3A_50 = arith.extf %convert_element_type3A_49 : vector<1024x1024xbf16> to vector<1024x1024xf32>
    %sub3A_51 = arith.subf %div3A_43, %convert_element_type3A_50 : vector<1024x1024xf32>
    %dot_general3A_52 = arith.constant dense<0.000000e+00> : vector<1024x64xf32>
    %dot_general3A_53 = tpu.matmul %convert_element_type3A_50, %convert_element_type3A_47, %dot_general3A_52 {dimension_numbers = #tpu.dot_dimension_numbers<[0], [0], [1], [1], [0, 1, 1, 1], [], []>, transpose_lhs_hint = false} : vector<1024x1024xf32>, vector<1024x64xf32>, vector<1024x64xf32> -> vector<1024x64xf32>
    %dot_general3A_54 = arith.constant dense<0.000000e+00> : vector<1024x64xf32>
    %dot_general3A_55 = tpu.matmul %convert_element_type3A_50, %sub3A_48, %dot_general3A_54 {dimension_numbers = #tpu.dot_dimension_numbers<[0], [0], [1], [1], [0, 1, 1, 1], [], []>, transpose_lhs_hint = false} : vector<1024x1024xf32>, vector<1024x64xf32>, vector<1024x64xf32> -> vector<1024x64xf32>
    %add3A_56 = arith.addf %dot_general3A_53, %dot_general3A_55 : vector<1024x64xf32>
    %dot_general3A_57 = arith.constant dense<0.000000e+00> : vector<1024x64xf32>
    %dot_general3A_58 = tpu.matmul %sub3A_51, %convert_element_type3A_47, %dot_general3A_57 {dimension_numbers = #tpu.dot_dimension_numbers<[0], [0], [1], [1], [0, 1, 1, 1], [], []>, transpose_lhs_hint = false} : vector<1024x1024xf32>, vector<1024x64xf32>, vector<1024x64xf32> -> vector<1024x64xf32>
    %add3A_59 = arith.addf %add3A_56, %dot_general3A_58 : vector<1024x64xf32>
    %slice3A_60 = vector.extract_strided_slice %dot_general3A_7 {offsets = [0, 1], sizes = [1024, 1], strides = [1, 1]} : vector<1024x2xf32> to vector<1024x1xf32>
    %slice3A_61 = vector.extract_strided_slice %get3A_12 {offsets = [1, 0], sizes = [1, 1024], strides = [1, 1]} : vector<2x1024xf32> to vector<1x1024xf32>
    %add3A_62 = vector.broadcast %slice3A_60 : vector<1024x1xf32> to vector<1024x1024xf32>
    %add3A_63 = vector.broadcast %slice3A_61 : vector<1x1024xf32> to vector<1024x1024xf32>
    %add3A_64 = arith.addf %add3A_62, %add3A_63 : vector<1024x1024xf32>
    %gt3A_65 = arith.constant 0.000000e+00 : f32
    %gt3A_66 = vector.broadcast %gt3A_65 : f32 to vector<1024x1024xf32>
    %gt3A_67 = arith.cmpf ogt, %add3A_64, %gt3A_66 : vector<1024x1024xf32>
    %mul3A_68 = arith.constant 2.000000e-01 : f32
    %mul3A_69 = vector.broadcast %mul3A_68 : f32 to vector<1024x1024xf32>
    %mul3A_70 = arith.mulf %mul3A_69, %add3A_64 : vector<1024x1024xf32>
    %select_n3A_71 = arith.select %gt3A_67, %add3A_64, %mul3A_70 : vector<1024x1024xi1>, vector<1024x1024xf32>
    %gt3A_72 = arith.constant 0.000000e+00 : f32
    %gt3A_73 = vector.broadcast %gt3A_72 : f32 to vector<1024x1024xf32>
    %gt3A_74 = arith.cmpf ogt, %get3A_15, %gt3A_73 : vector<1024x1024xf32>
    %jit3A_75 = arith.constant 0xFF800000 : f32
    %broadcast_in_dim3A_76 = vector.broadcast %jit3A_75 : f32 to vector<1024x1024xf32>
    %select_n3A_77 = arith.select %gt3A_74, %select_n3A_71, %broadcast_in_dim3A_76 : vector<1024x1024xi1>, vector<1024x1024xf32>
    %reduce_max3A_78 = arith.constant dense<0xFF800000> : vector<1024xf32>
    %reduce_max3A_79 = vector.multi_reduction <maximumf>, %select_n3A_77, %reduce_max3A_78 [0] : vector<1024x1024xf32> to vector<1024xf32>
    %broadcast_in_dim3A_80 = vector.shape_cast %reduce_max3A_79 : vector<1024xf32> to vector<1x1024xf32>
    %is_finite3A_81 = tpu.weird %broadcast_in_dim3A_80 : vector<1x1024xf32> -> vector<1x1024xi1>
    %is_finite3A_82 = arith.constant dense<true> : vector<1x1024xi1>
    %is_finite3A_83 = arith.xori %is_finite3A_81, %is_finite3A_82 : vector<1x1024xi1>
    %jit3A_84 = arith.constant 0.000000e+00 : f32
    %broadcast_in_dim3A_85 = vector.broadcast %jit3A_84 : f32 to vector<1x1024xf32>
    %select_n3A_86 = arith.select %is_finite3A_83, %broadcast_in_dim3A_80, %broadcast_in_dim3A_85 : vector<1x1024xi1>, vector<1x1024xf32>
    %sub3A_87 = vector.broadcast %select_n3A_86 : vector<1x1024xf32> to vector<1024x1024xf32>
    %sub3A_88 = arith.subf %select_n3A_71, %sub3A_87 : vector<1024x1024xf32>
    %min3A_89 = arith.constant 0.000000e+00 : f32
    %min3A_90 = vector.broadcast %min3A_89 : f32 to vector<1024x1024xf32>
    %min3A_91 = arith.minimumf %sub3A_88, %min3A_90 : vector<1024x1024xf32>
    %exp3A_92 = math.exp %min3A_91 : vector<1024x1024xf32>
    %mul3A_93 = arith.mulf %get3A_15, %exp3A_92 : vector<1024x1024xf32>
    %reduce_sum3A_94 = arith.constant dense<0.000000e+00> : vector<1024xf32>
    %reduce_sum3A_95 = vector.multi_reduction <add>, %mul3A_93, %reduce_sum3A_94 [0] : vector<1024x1024xf32> to vector<1024xf32>
    %broadcast_in_dim3A_96 = vector.shape_cast %reduce_sum3A_95 : vector<1024xf32> to vector<1x1024xf32>
    %add3A_97 = arith.constant 1.000000e-10 : f32
    %add3A_98 = vector.broadcast %add3A_97 : f32 to vector<1x1024xf32>
    %add3A_99 = arith.addf %broadcast_in_dim3A_96, %add3A_98 : vector<1x1024xf32>
    %div3A_100 = vector.broadcast %add3A_99 : vector<1x1024xf32> to vector<1024x1024xf32>
    %div3A_101 = arith.divf %mul3A_93, %div3A_100 : vector<1024x1024xf32>
    %get3A_102 = arith.constant 0 : index
    %get3A_103 = arith.constant 64 : index
    %get3A_104 = vector.load %arg5[%get3A_102, %get3A_103] : memref<1024x128xf32, #tpu.memory_space<vmem>>, vector<1024x64xf32>
    %convert_element_type3A_105 = arith.truncf %get3A_104 : vector<1024x64xf32> to vector<1024x64xbf16>
    %convert_element_type3A_106 = arith.extf %convert_element_type3A_105 : vector<1024x64xbf16> to vector<1024x64xf32>
    %sub3A_107 = arith.subf %get3A_104, %convert_element_type3A_106 : vector<1024x64xf32>
    %convert_element_type3A_108 = arith.truncf %div3A_101 : vector<1024x1024xf32> to vector<1024x1024xbf16>
    %convert_element_type3A_109 = arith.extf %convert_element_type3A_108 : vector<1024x1024xbf16> to vector<1024x1024xf32>
    %sub3A_110 = arith.subf %div3A_101, %convert_element_type3A_109 : vector<1024x1024xf32>
    %dot_general3A_111 = arith.constant dense<0.000000e+00> : vector<1024x64xf32>
    %dot_general3A_112 = tpu.matmul %convert_element_type3A_109, %convert_element_type3A_106, %dot_general3A_111 {dimension_numbers = #tpu.dot_dimension_numbers<[0], [0], [1], [1], [0, 1, 1, 1], [], []>, transpose_lhs_hint = false} : vector<1024x1024xf32>, vector<1024x64xf32>, vector<1024x64xf32> -> vector<1024x64xf32>
    %dot_general3A_113 = arith.constant dense<0.000000e+00> : vector<1024x64xf32>
    %dot_general3A_114 = tpu.matmul %convert_element_type3A_109, %sub3A_107, %dot_general3A_113 {dimension_numbers = #tpu.dot_dimension_numbers<[0], [0], [1], [1], [0, 1, 1, 1], [], []>, transpose_lhs_hint = false} : vector<1024x1024xf32>, vector<1024x64xf32>, vector<1024x64xf32> -> vector<1024x64xf32>
    %add3A_115 = arith.addf %dot_general3A_112, %dot_general3A_114 : vector<1024x64xf32>
    %dot_general3A_116 = arith.constant dense<0.000000e+00> : vector<1024x64xf32>
    %dot_general3A_117 = tpu.matmul %sub3A_110, %convert_element_type3A_106, %dot_general3A_116 {dimension_numbers = #tpu.dot_dimension_numbers<[0], [0], [1], [1], [0, 1, 1, 1], [], []>, transpose_lhs_hint = false} : vector<1024x1024xf32>, vector<1024x64xf32>, vector<1024x64xf32> -> vector<1024x64xf32>
    %add3A_118 = arith.addf %add3A_115, %dot_general3A_117 : vector<1024x64xf32>
    %concatenate3A = tpu.concatenate %add3A_59, %add3A_118 in 1 : vector<1024x64xf32>, vector<1024x64xf32> -> vector<1024x128xf32>
    %swap3A = arith.constant 0 : index
    %swap3A_119 = arith.constant 0 : index
    %swap3A_120 = vector.load %arg6[%swap3A, %swap3A_119] : memref<1024x128xf32, #tpu.memory_space<vmem>>, vector<1024x128xf32>
    tpu.vector_store %arg6[%swap3A, %swap3A_119], %concatenate3A {strides = array<i32>} : memref<1024x128xf32, #tpu.memory_space<vmem>>, vector<1024x128xf32>,
    return
  }
  func.func @transform_0(%arg0: i32) -> (i32, i32) {
    %c0_i32 = arith.constant 0 : i32
    %c0_i32_0 = arith.constant 0 : i32
    %c0_i32_1 = arith.constant 0 : i32
    return %c0_i32, %c0_i32_0 : i32, i32
  }
  func.func @transform_1(%arg0: i32) -> (i32, i32) {
    %c0_i32 = arith.constant 0 : i32
    %c0_i32_0 = arith.constant 0 : i32
    %c0_i32_1 = arith.constant 0 : i32
    return %c0_i32, %c0_i32_0 : i32, i32
  }
  func.func @transform_2(%arg0: i32) -> (i32, i32, i32) {
    %c0_i32 = arith.constant 0 : i32
    %c0_i32_0 = arith.constant 0 : i32
    %c0_i32_1 = arith.constant 0 : i32
    return %arg0, %c0_i32, %c0_i32_0 : i32, i32, i32
  }
  func.func @transform_3(%arg0: i32) -> (i32, i32, i32) {
    %c0_i32 = arith.constant 0 : i32
    %c0_i32_0 = arith.constant 0 : i32
    %c0_i32_1 = arith.constant 0 : i32
    return %arg0, %c0_i32, %c0_i32_0 : i32, i32, i32
  }
  func.func @transform_4(%arg0: i32) -> (i32, i32) {
    %c0_i32 = arith.constant 0 : i32
    %c0_i32_0 = arith.constant 0 : i32
    return %c0_i32, %arg0 : i32, i32
  }
  func.func @transform_5(%arg0: i32) -> (i32, i32) {
    %c0_i32 = arith.constant 0 : i32
    %c0_i32_0 = arith.constant 0 : i32
    return %c0_i32, %arg0 : i32, i32
  }
}

module attributes {stable_mosaic.version = 14 : i64} {
  func.func @_pair_body(%arg0: memref<1024x384xf32, #tpu.memory_space<vmem>>, %arg1: memref<1x384xf32, #tpu.memory_space<vmem>>, %arg2: memref<384x64xf32, #tpu.memory_space<vmem>>, %arg3: memref<1024x1024xf32, #tpu.memory_space<vmem>>, %arg4: memref<129x1xf32, #tpu.memory_space<vmem>>, %arg5: memref<1x1xf32, #tpu.memory_space<vmem>>, %arg6: memref<1024x1024xf32, #tpu.memory_space<vmem>>, %arg7: memref<1024x1024xf32, #tpu.memory_space<vmem>>, %arg8: memref<1024x1024xf32, #tpu.memory_space<vmem>>) attributes {dimension_semantics = [], scalar_prefetch = 0 : i64, scratch_operands = 0 : i64, tpu.core_type = #tpu.core_type<tc>} {
    %get3A = arith.constant 0 : index
    %get3A_0 = arith.constant 0 : index
    %get3A_1 = vector.load %arg0[%get3A, %get3A_0] : memref<1024x384xf32, #tpu.memory_space<vmem>>, vector<1024x384xf32>
    %get3A_2 = arith.constant 0 : index
    %get3A_3 = arith.constant 0 : index
    %get3A_4 = vector.load %arg1[%get3A_2, %get3A_3] : memref<1x384xf32, #tpu.memory_space<vmem>>, vector<1x384xf32>
    %add3A = vector.broadcast %get3A_4 : vector<1x384xf32> to vector<1024x384xf32>
    %add3A_5 = arith.addf %get3A_1, %add3A : vector<1024x384xf32>
    %get3A_6 = arith.constant 0 : index
    %get3A_7 = arith.constant 0 : index
    %get3A_8 = vector.load %arg2[%get3A_6, %get3A_7] : memref<384x64xf32, #tpu.memory_space<vmem>>, vector<384x64xf32>
    %dot_general3A = arith.constant dense<0.000000e+00> : vector<1024x64xf32>
    %dot_general3A_9 = tpu.matmul %add3A_5, %get3A_8, %dot_general3A {dimension_numbers = #tpu.dot_dimension_numbers<[1], [0], [0], [1], [0, 0, 1, 1], [], []>, precision = #tpu.contract_precision<fp32>, transpose_lhs_hint = false} : vector<1024x384xf32>, vector<384x64xf32>, vector<1024x64xf32> -> vector<1024x64xf32>
    %convert_element_type3A = arith.truncf %dot_general3A_9 : vector<1024x64xf32> to vector<1024x64xbf16>
    %convert_element_type3A_10 = arith.extf %convert_element_type3A : vector<1024x64xbf16> to vector<1024x64xf32>
    %get3A_11 = arith.constant 0 : index
    %get3A_12 = arith.constant 0 : index
    %get3A_13 = vector.load %arg4[%get3A_11, %get3A_12] : memref<129x1xf32, #tpu.memory_space<vmem>>, vector<129x1xf32>
    %convert_element_type3A_14 = arith.truncf %get3A_13 : vector<129x1xf32> to vector<129x1xbf16>
    %convert_element_type3A_15 = arith.extf %convert_element_type3A_14 : vector<129x1xbf16> to vector<129x1xf32>
    %slice3A = vector.extract_strided_slice %convert_element_type3A_15 {offsets = [0, 0], sizes = [64, 1], strides = [1, 1]} : vector<129x1xf32> to vector<64x1xf32>
    %dot_general3A_16 = arith.constant dense<0.000000e+00> : vector<1x1024xf32>
    %dot_general3A_17 = tpu.matmul %slice3A, %convert_element_type3A_10, %dot_general3A_16 {dimension_numbers = #tpu.dot_dimension_numbers<[0], [1], [1], [0], [0, 1, 1, 0], [], []>, precision = #tpu.contract_precision<fp32>, transpose_lhs_hint = false} : vector<64x1xf32>, vector<1024x64xf32>, vector<1x1024xf32> -> vector<1x1024xf32>
    %slice3A_18 = vector.extract_strided_slice %convert_element_type3A_15 {offsets = [64, 0], sizes = [64, 1], strides = [1, 1]} : vector<129x1xf32> to vector<64x1xf32>
    %dot_general3A_19 = arith.constant dense<0.000000e+00> : vector<1024x1xf32>
    %dot_general3A_20 = tpu.matmul %convert_element_type3A_10, %slice3A_18, %dot_general3A_19 {dimension_numbers = #tpu.dot_dimension_numbers<[1], [0], [0], [1], [0, 0, 1, 1], [], []>, precision = #tpu.contract_precision<fp32>, transpose_lhs_hint = false} : vector<1024x64xf32>, vector<64x1xf32>, vector<1024x1xf32> -> vector<1024x1xf32>
    %slice3A_21 = vector.extract_strided_slice %convert_element_type3A_15 {offsets = [128, 0], sizes = [1, 1], strides = [1, 1]} : vector<129x1xf32> to vector<1x1xf32>
    %get3A_22 = arith.constant 0 : index
    %get3A_23 = arith.constant 0 : index
    %get3A_24 = vector.load %arg3[%get3A_22, %get3A_23] : memref<1024x1024xf32, #tpu.memory_space<vmem>>, vector<1024x1024xf32>
    %convert_element_type3A_25 = arith.truncf %get3A_24 : vector<1024x1024xf32> to vector<1024x1024xbf16>
    %convert_element_type3A_26 = arith.extf %convert_element_type3A_25 : vector<1024x1024xbf16> to vector<1024x1024xf32>
    %add3A_27 = vector.broadcast %dot_general3A_20 : vector<1024x1xf32> to vector<1024x1024xf32>
    %add3A_28 = vector.broadcast %dot_general3A_17 : vector<1x1024xf32> to vector<1024x1024xf32>
    %add3A_29 = arith.addf %add3A_27, %add3A_28 : vector<1024x1024xf32>
    %mul3A = vector.broadcast %slice3A_21 : vector<1x1xf32> to vector<1024x1024xf32>
    %mul3A_30 = arith.mulf %mul3A, %convert_element_type3A_26 : vector<1024x1024xf32>
    %add3A_31 = arith.addf %add3A_29, %mul3A_30 : vector<1024x1024xf32>
    %get3A_32 = arith.constant 0 : index
    %get3A_33 = arith.constant 0 : index
    %get3A_34 = vector.load %arg5[%get3A_32, %get3A_33] : memref<1x1xf32, #tpu.memory_space<vmem>>, vector<1x1xf32>
    %add3A_35 = vector.broadcast %get3A_34 : vector<1x1xf32> to vector<1024x1024xf32>
    %add3A_36 = arith.addf %add3A_31, %add3A_35 : vector<1024x1024xf32>
    %tanh3A = math.tanh %add3A_36 : vector<1024x1024xf32>
    %swap3A = arith.constant 0 : index
    %swap3A_37 = arith.constant 0 : index
    %swap3A_38 = vector.load %arg6[%swap3A, %swap3A_37] : memref<1024x1024xf32, #tpu.memory_space<vmem>>, vector<1024x1024xf32>
    tpu.vector_store %arg6[%swap3A, %swap3A_37], %tanh3A {strides = array<i32>} : memref<1024x1024xf32, #tpu.memory_space<vmem>>, vector<1024x1024xf32>,
    %gt3A = arith.constant 1.000000e+00 : f32
    %gt3A_39 = vector.broadcast %gt3A : f32 to vector<1024x1024xf32>
    %gt3A_40 = arith.cmpf ogt, %tanh3A, %gt3A_39 : vector<1024x1024xf32>
    %jit3A = arith.constant 0.000000e+00 : f32
    %broadcast_in_dim3A = vector.broadcast %jit3A : f32 to vector<1024x1024xf32>
    %select_n3A = arith.select %gt3A_40, %tanh3A, %broadcast_in_dim3A : vector<1024x1024xi1>, vector<1024x1024xf32>
    %swap3A_41 = arith.constant 0 : index
    %swap3A_42 = arith.constant 0 : index
    %swap3A_43 = vector.load %arg7[%swap3A_41, %swap3A_42] : memref<1024x1024xf32, #tpu.memory_space<vmem>>, vector<1024x1024xf32>
    tpu.vector_store %arg7[%swap3A_41, %swap3A_42], %select_n3A {strides = array<i32>} : memref<1024x1024xf32, #tpu.memory_space<vmem>>, vector<1024x1024xf32>,
    %reduce_sum3A = arith.constant dense<0.000000e+00> : vector<1024xf32>
    %reduce_sum3A_44 = vector.multi_reduction <add>, %tanh3A, %reduce_sum3A [1] : vector<1024x1024xf32> to vector<1024xf32>
    %broadcast_in_dim3A_45 = vector.shape_cast %reduce_sum3A_44 : vector<1024xf32> to vector<1024x1xf32>
    %add3A_46 = arith.constant 1.000000e-10 : f32
    %add3A_47 = vector.broadcast %add3A_46 : f32 to vector<1024x1xf32>
    %add3A_48 = arith.addf %broadcast_in_dim3A_45, %add3A_47 : vector<1024x1xf32>
    %div3A = vector.broadcast %add3A_48 : vector<1024x1xf32> to vector<1024x1024xf32>
    %div3A_49 = arith.divf %tanh3A, %div3A : vector<1024x1024xf32>
    %add3A_50 = arith.constant 1.000000e-10 : f32
    %add3A_51 = vector.broadcast %add3A_50 : f32 to vector<1024x1024xf32>
    %add3A_52 = arith.addf %div3A_49, %add3A_51 : vector<1024x1024xf32>
    %log3A = math.log %add3A_52 : vector<1024x1024xf32>
    %swap3A_53 = arith.constant 0 : index
    %swap3A_54 = arith.constant 0 : index
    %swap3A_55 = vector.load %arg8[%swap3A_53, %swap3A_54] : memref<1024x1024xf32, #tpu.memory_space<vmem>>, vector<1024x1024xf32>
    tpu.vector_store %arg8[%swap3A_53, %swap3A_54], %log3A {strides = array<i32>} : memref<1024x1024xf32, #tpu.memory_space<vmem>>, vector<1024x1024xf32>,
    return
  }
}

</mosaic_0001>

<sc_bundles>
// kernel: kernel.12.cloned.1.call-start
scs
__scs_entry_jumppad:
0x0: {  	(pc) =	sbr.rel $0x88, $3  }
0x1: {  	(tag) =	ssettag $0x0;
	lr =	simm.s32 $0x1  }
0x2: {  	[smem:$0x3F8C] =	sst lr;
	_ =	strace $0xD0000000  }
0x3: {  	_ = 	snop  }
0x4: {  	_ = 	snop  }
0x5: {  	_ = 	snop  }
0x6: {  	_ = 	snop  }
0x7: {  	_ = 	snop  }
__scs_overlays_trampoline_lowered:
0x8: {  	[smem:$0x3F9B] =	sst s0  }
0x9: {  	[smem:$0x3F9C] =	sst s1  }
0xa: {  	[smem:$0x3F9D] =	sst s2  }
0xb: {  	[smem:$0x3F9E] =	sst s3  }
0xc: {  	[smem:$0x3F9F] =	sst s4  }
0xd: {  	[smem:$0x3FA0] =	sst s5  }
0xe: {  	[smem:$0x3FA1] =	sst s6  }
0xf: {  	[smem:$0x3FA2] =	sst s7  }
0x10: {  	[smem:$0x3FA3] =	sst s8  }
0x11: {  	[smem:$0x3FA4] =	sst s9;
	s0 =	simm.s32 @!p0 $0x0  }
0x12: {  	s1 =	sld [smem:$0x3F8A];
	s0 =	simm.s32 @p0 $0x1  }
0x13: {  	[smem:$0x3FA5] =	sst s0;
	s0 =	simm.s32 @!p1 $0x0  }
0x14: {  	s2 =	sld [smem:$0x3F89];
	s0 =	simm.s32 @p1 $0x1  }
0x15: {  	[smem:$0x3FA6] =	sst s0;
	s0 =	simm.s32 @!p2 $0x0  }
0x16: {  	s3 =	sld [smem:$0x3FDB];
	s0 =	simm.s32 @p2 $0x1  }
0x17: {  	s4 =	simm.s32 $0x1BF5;
	[smem:$0x3FA8] =	sst s0  }
0x18: {  	s0 =	sld [smem:$0x3F8B];
	_ =	swait.ge [sflag:s4], $0x0  }
0x19: {  	s7 =	sld [smem:$0x3F8C]  }
0x1a: {  	s8 =	sadd.s32 $0xFFFFE003, lr  }
0x1b: {  	s9 =	sadd.s32 $0xFFFFFEF7, lr;
	s5 =	simm.s32 $0xFFFFFFFF;
	p2 =	slt.u32 s8, $0xFFFFF086  }
0x1c: {  	p1 =	slt.u32 s9, $0xF7A;
	s5 =	simm.s32 @!p2 $0x0  }
0x1d: {  	s5 =	simm.s32 @p1 $0x1;
	p0 =	seq.s32 s7, s2  }
0x1e: {  	s7 =	smul.u32 @!p0 $0xF7A, s2;
	p2 =	seq.s32 @!p0 s5, $0x0  }
0x1f: {  	s9 =	smul.u32 $0xF7A, s1;
	s8 =	simm.s32 @!p0 $0x1BF5;
	p2 =	por !p2, p0  }
0x20: {  	[sflag:s8] =	ssyncset.s32 @!p0 $0xFFFFF086;
	s6 =	sadd.s32 @!p0 s3, s7;
	s7 =	simm.s32 @!p0 $0x108  }
0x21: {  	s3 =	sadd.s32 s3, s9;
	s6 =	sadd.s32 @!p0 $0x88, s6;
	s7 =	simm.s32 @p2 $0x1082  }
0x22: {  	[simem:s7], [sflag:s8] =	dma.local @!p0 [hbm:s6], $0xF7A  }
0x23: {  	s9 =	sor.u32 $0xD0000000, s2;
	s6 =	simm.s32 $0x108;
	_ =	swait.ge @!p0 [sflag:s8], $0x0  }
0x24: {  	s3 =	sadd.s32 $0x88, s3;
	s6 =	simm.s32 @!p1 $0x1082;
	[sflag:s4] =	ssyncset.s32 $0xFFFFF086  }
0x25: {  	[simem:s6], [sflag:s4] =	dma.local [hbm:s3], $0xF7A  }
0x26: {  	[smem:$0x3F8C] =	sst s1;
	(tag) =	ssettag s2;
	_ =	strace s9  }
0x27: {  	s1 =	sld [smem:$0x3F9C]  }
0x28: {  	s2 =	sld [smem:$0x3F9D]  }
0x29: {  	s4 =	sld [smem:$0x3F9F]  }
0x2a: {  	p0 =	seq.s32 s5, $0x0;
	s5 =	sld [smem:$0x3FA0]  }
0x2b: {  	s6 =	sld [smem:$0x3FA1]  }
0x2c: {  	s7 =	sld [smem:$0x3FA2]  }
0x2d: {  	s3 =	simm.s32 $0x108;
	s8 =	sld [smem:$0x3FA3]  }
0x2e: {  	s3 =	simm.s32 @!p0 $0x1082;
	s9 =	sld [smem:$0x3FA4]  }
0x2f: {  	lr =	sadd.s32 s0, s3;
	s0 =	sld [smem:$0x3F9B]  }
0x30: {  	s3 =	sld [smem:$0x3F9E]  }
0x31: {  	[smem:$0x3FA7] =	sst s10  }
0x32: {  	s10 =	sld [smem:$0x3FA5];
	_ =	sdelay $0x3  }
0x33: {  	p0 =	seq.s32 s10, $0x1;
	s10 =	sld [smem:$0x3FA7];
	_ =	sdelay $0x3  }
0x34: {  	[smem:$0x3FA7] =	sst s10  }
0x35: {  	s10 =	sld [smem:$0x3FA6];
	_ =	sdelay $0x3  }
0x36: {  	p1 =	seq.s32 s10, $0x1;
	s10 =	sld [smem:$0x3FA7];
	_ =	sdelay $0x3  }
0x37: {  	[smem:$0x3FA7] =	sst s10  }
0x38: {  	s10 =	sld [smem:$0x3FA8]  }
0x39: {  	_ = 	snop;
	(pc) =	sbr.ind lr, $3  }
0x3a: {  	_ = 	snop  }
0x3b: {  	_ = 	snop  }
0x3c: {  	p2 =	seq.s32 s10, $0x1;
	s10 =	sld [smem:$0x3FA7]  }
0x3d: {  	_ =	shalt  }
0x3e: {  	_ =	shalt  }
0x3f: {  	_ =	shalt  }
0x40: {  	_ =	shalt  }
0x41: {  	_ =	shalt  }
0x42: {  	_ =	shalt  }
0x43: {  	_ =	shalt  }
0x44: {  	_ =	shalt  }
0x45: {  	_ =	shalt  }
0x46: {  	_ =	shalt  }
0x47: {  	_ =	shalt  }
0x48: {  	_ =	shalt  }
0x49: {  	_ =	shalt  }
0x4a: {  	_ =	shalt  }
0x4b: {  	_ =	shalt  }
0x4c: {  	_ =	shalt  }
0x4d: {  	_ =	shalt  }
0x4e: {  	_ =	shalt  }
0x4f: {  	_ =	shalt  }
0x50: {  	_ =	shalt  }
0x51: {  	_ =	shalt  }
0x52: {  	_ =	shalt  }
0x53: {  	_ =	shalt  }
0x54: {  	_ =	shalt  }
0x55: {  	_ =	shalt  }
0x56: {  	_ =	shalt  }
0x57: {  	_ =	shalt  }
0x58: {  	_ =	shalt  }
0x59: {  	_ =	shalt  }
0x5a: {  	_ =	shalt  }
0x5b: {  	_ =	shalt  }
0x5c: {  	_ =	shalt  }
0x5d: {  	_ =	shalt  }
0x5e: {  	_ =	shalt  }
0x5f: {  	_ =	shalt  }
0x60: {  	_ =	shalt  }
0x61: {  	_ =	shalt  }
0x62: {  	_ =	shalt  }
0x63: {  	_ =	shalt  }
0x64: {  	_ =	shalt  }
0x65: {  	_ =	shalt  }
0x66: {  	_ =	shalt  }
0x67: {  	_ =	shalt  }
0x68: {  	_ =	shalt  }
0x69: {  	_ =	shalt  }
0x6a: {  	_ =	shalt  }
0x6b: {  	_ =	shalt  }
0x6c: {  	_ =	shalt  }
0x6d: {  	_ =	shalt  }
0x6e: {  	_ =	shalt  }
0x6f: {  	_ =	shalt  }
0x70: {  	_ =	shalt  }
0x71: {  	_ =	shalt  }
0x72: {  	_ =	shalt  }
0x73: {  	_ =	shalt  }
0x74: {  	_ =	shalt  }
0x75: {  	_ =	shalt  }
0x76: {  	_ =	shalt  }
0x77: {  	_ =	shalt  }
0x78: {  	_ =	shalt  }
0x79: {  	_ =	shalt  }
0x7a: {  	_ =	shalt  }
0x7b: {  	_ =	shalt  }
0x7c: {  	_ =	shalt  }
0x7d: {  	_ =	shalt  }
0x7e: {  	_ =	shalt  }
0x7f: {  	_ =	shalt  }
0x80: {  	_ =	shalt  }
0x81: {  	_ =	shalt  }
0x82: {  	_ =	shalt  }
0x83: {  	_ =	shalt  }
0x84: {  	_ =	shalt  }
0x85: {  	_ =	shalt  }
0x86: {  	_ =	shalt  }
0x87: {  	_ =	shalt  }
.Lfunc_end0:
.L_simem_size_0:
called_computation_lowered:
.L_overlay_start_0:
0x88: {  	s2 =	sld [smem:$0x3FD9]  }
0x89: {  	s3 =	sld [smem:$0x3FFE];
	_ =	sdelay $0x1  }
0x8a: {  	s1 =	srdreg.scid  }
0x8b: {  	s0 =	sand.u32 $0x1, s1  }
0x8c: {  	s14 =	sshll.u32 s0, $0xA;
	s2 =	sadd.s32 s3, s2  }
0x8d: {  	s2 =	sadd.s32 s2, s14  }
0x8e: {  	[smem:$0x3FB3] =	sst s2  }
0x8f: {  	_ = 	snop  }
0x90: {  	s2 =	sld [smem:$0x3FD0];
	_ =	sdelay $0x2  }
0x91: {  	s15 =	simm.s32 $0xA;
	s4 =	simm.s32 $0x10  }
0x92: {  	[smem:s4], [sflag:s15] =	dma.local [hbm:s2], $0x1  }
0x93: {  	_ =	swait.eq [sflag:s15], $0x1  }
0x94: {  	s16 =	sld [smem:$0x10];
	[sflag:s15] =	ssyncset.done $0x0  }
0x95: {  	s17 =	sld [smem:$0x11];
	[sflag:s15] =	ssyncadd.s32 $0xFFFFFFFF  }
0x96: {  	s18 =	sld [smem:$0x12];
	(tm) =	ssettm $0x1  }
0x97: {  	s5 =	sld [smem:$0x3FFB];
	_ =	sdelay $0x3  }
0x98: {  	_ =	strace s5  }
0x99: {  	s5 =	sld [smem:$0x3FFC];
	_ =	sdelay $0x3  }
0x9a: {  	_ =	strace s5  }
0x9b: {  	s5 =	sld [smem:$0x3FFD];
	_ =	sdelay $0x3  }
0x9c: {  	_ =	strace s5  }
0x9d: {  	_ =	strace $0x8FFFFFFF  }
0x9e: {  	s19 =	sld [smem:$0x3FDB];
	_ =	sdelay $0x1  }
0x9f: {  	s6 =	simm.s32 $_scs_section_size  }
0xa0: {  	s7 =	simm.s32 $_size__tile_overlayer_lowered;
	s8 =	simm.s32 $_tile_overlayer_lowered  }
0xa1: {  	s22 =	simm.s32 $0x1BFF;
	s21 =	sshll.u32 s8, $0x1;
	s5 =	sadd.s32 s6, s19  }
0xa2: {  	s9 =	simm.s32 $0x0;
	s20 =	sshll.u32 s7, $0x1;
	s7 =	sadd.s32 s21, s5  }
0xa3: {  	[timem:s9], [sflag:s22] =	dma.local [hbm:s7], s20  }
0xa4: {  	_ =	swait.ge [sflag:s22], s20  }
0xa5: {  	s6 =	ssub.s32 $0x0, s20;
	[sflag:s22] =	ssyncset.done $0x0  }
0xa6: {  	[sflag:s22] =	ssyncadd.s32 s6;
	_ =	sdelay $0x1  }
0xa7: {  	s23 =	simm.s32 $0x1B8B  }
0xa8: {  	_ =	swait.ge [sflag:s23], $0x1  }
0xa9: {  	[sflag:s23] =	ssyncset.done $0x0  }
0xaa: {  	s25 =	simm.s32 $0x1B8E;
	s24 =	sld [smem:$0x3FFE];
	[sflag:s23] =	ssyncadd.s32 $0xFFFFFFFF  }
0xab: {  	s26 =	simm.s32 $execute0_lowered;
	[smem:$0x3FD2] =	sst s25  }
0xac: {  	s7 =	sshll.u32 s26, $0x1;
	_ =	strace $0x80000046;
	[dreg:$0x1] =	wrdreg $0xFFFFFFFF  }
0xad: {  	s28 =	simm.s32 $_size_execute0_lowered;
	s5 =	sadd.s32 s5, s7;
	[dreg:$0x0] =	wrdreg $0x0  }
0xae: {  	s7 =	sshll.u32 s28, $0x1;
	[dreg:$0x2] =	wrdreg s5  }
0xaf: {  	[dreg:$0x3] =	wrdreg s7  }
0xb0: {  	[dreg:$0x4] =	wrdreg $0xC0  }
0xb1: {  	_ =	task [dreg:s9], $0x5FFFF  }
0xb2: {  	[dreg:$0x1] =	wrdreg $0xFFFFFFFF  }
0xb3: {  	[dreg:$0x0] =	wrdreg $0x60  }
0xb4: {  	[dreg:$0x2] =	wrdreg s24  }
0xb5: {  	[dreg:$0x3] =	wrdreg s16  }
0xb6: {  	[dreg:$0x4] =	wrdreg s18  }
0xb7: {  	[dreg:$0x5] =	wrdreg s17  }
0xb8: {  	[dreg:$0x6] =	wrdreg $0x20000  }
0xb9: {  	[dreg:$0x7] =	wrdreg $0x9  }
0xba: {  	_ =	task.clear_ibuf [dreg:s9], $0x8FFFF;
	_ =	strace $0x90000046  }
0xbb: {  	s29 =	simm.s32 $0x9;
	_ =	strace $0x80000048  }
0xbc: {  	_ =	swait.ge [sflag:s29], $0x1  }
0xbd: {  	[sflag:s29] =	ssyncadd.s32 $0xFFFFFFFF  }
0xbe: {  	_ =	strace $0x90000048  }
0xbf: {  	_ =	sfence  }
0xc0: {  	s30 =	sld [smem:$0x0];
	_ =	sdelay $0x2  }
0xc1: {  	s31 =	sshll.u32 s1, $0xD;
	s1 =	sshrl.u32 s1, $0x2  }
0xc2: {  	s3 =	sand.u32 $0x4000, s31;
	s1 =	sadd.s32 s1, s30  }
0xc3: {  	s0 =	sor.u32 s3, s0;
	s1 =	sshll.u32 s1, $0x11  }
0xc4: {  	s0 =	sor.u32 s1, s0  }
0xc5: {  	s0 =	sadd.s32 $0x8F2B, s0  }
0xc6: {  	[sflag:s0] =	ssyncadd.remote.s32 $0x1  }
0xc7: {  	_ =	sfence.sel $0xFFFF  }
0xc8: {  	[dreg:$0x0] =	wrdreg $0xFFFFFFFF;
	(pc) =	sbr.abs _section_cstart, $3  }
0xc9: {  	[dreg:$0x1] =	wrdreg $0xFFFFFFFF  }
0xca: {  	_ =	task.clear_ibuf [dreg:s9], $0x2FFFF;
	_ =	strace $0x9FFFFFFF  }
0xcb: {  	(tm) =	ssettm $0x7FFFFFFF  }
tec
execute0_lowered:
.L_overlay_start_1:
0x0: {  	(tag) =	ssettag $0x1  }
0x1: {  	s1 =	srdreg.scid  }
0x2: {  	s7 =	rddreg [dreg:$0x0];
	s1 =	sand.u32 $0x1, s1  }
0x3: {  	s5 =	rddreg [dreg:$0x1];
	p0 =	seq.s32 s1, $0x1  }
.Ltmp0:
0x4: {  	s3 =	rddreg [dreg:$0x2];
	(pc) =	sbr.rel @p0 .LBB2_4-.Ltmp0, $4  }
0x5: {  	s4 =	rddreg [dreg:$0x3]  }
0x6: {  	s2 =	rddreg [dreg:$0x4];
	s6 =	simm.s32 $0x0  }
0x7: {  	[smem:$0x7FF] =	sst s6  }
0x8: {  	s0 =	rddreg [dreg:$0x5];
	_ =	strace $0x80000047;
	s1 =	stileid.u32  }
0x9: {  	s7 =	sadd.s32 $0x3800, s7;
	s8 =	sshll.u32 s1, $0x8  }
0xa: {  	s25 =	simm.s32 $0x1;
	s7 =	sadd.s32 s7, s8  }
0xb: {  	[tilespmem:s6], [sflag:$0x1] =	stream.linear.gather [hbm4b:s7+s6], $0x800, $0x38;
	[tilespmem:$0x12000] =	vst v63  }
0xc: {  	_ =	swait.ge [sflag:s25], $0x800  }
0xd: {  	s9 =	sshll.u32 s1, $0x10;
	[sflag:s25] =	ssyncset.done $0x0  }
0xe: {  	s26 =	simm.s32 $0x800;
	s5 =	sadd.s32 s5, s8;
	[sflag:s25] =	ssyncadd.s32 $0xFFFFF800  }
0xf: {  	[tilespmem:s26], [sflag:$0x1] =	stream.linear.gather [hbm4b:s5+s6], $0x800, $0x38;
	[tilespmem:$0x12000] =	vst v63  }
0x10: {  	s29 =	sshll.u32 s1, $0xD;
	s31 =	sshll.u32 s1, $0x6;
	_ =	swait.ge [sflag:s25], $0x800  }
0x11: {  	s28 =	sadd.s32 s9, s2;
	s30 =	sadd.s32 s3, s29;
	[sflag:s25] =	ssyncset.done $0x0  }
0x12: {  	s3 =	sor.u32 $0x1C01, s31;
	s5 =	sshrl.u32 s28, $0x3;
	[sflag:s25] =	ssyncadd.s32 $0xFFFFF800  }
0x13: {  	[spmem:s5], [sflag:s3] =	dma.local [hbm:s30], $0x2000  }
0x14: {  	_ =	swait.ge [sflag:s25], $0x2000  }
0x15: {  	[sflag:s25] =	ssyncset.done $0x0  }
0x16: {  	[sflag:s25] =	ssyncadd.s32 $0xFFFFE000  }
0x17: {  	s6 =	simm.s32 $0x0;
	[bflag:$0x0] =	sbarrier.arrive $0xFFFF  }
0x18: {  	v0 =	vimm.f32 $1.000000000e+00;
	v1 =	vld [tilespmem:s6+$0x0]  }
0x19: {  	s4 =	sadd.s32 s4, s29;
	s7 =	simm.s32 $0x40;
	[tilespmem:s6+$0x1000] =	vst v0;
	v2 =	vld [tilespmem:s6+$0x800]  }
.LBB2_2:
0x1a: {  	p0 =	sne.s32 s7, $0x1FC0  }
.Ltmp1:
0x1b: {  	_ = 	snop;
	(pc) =	sbr.rel @p0 .LBB2_2-.Ltmp1, $4  }
0x1c: {  	_ = 	snop  }
0x1d: {  	s8 =	sshra.s32 s7, $0x2;
	s7 =	sadd.s32 $0x40, s7;
	v3 =	vshll.u32 v1, $0xA  }
0x1e: {  	v1 =	vld [tilespmem:s8+$0x0];
	[tilespmem:s8+$0x1000] =	vst v0;
	v3 =	vadd.s32 v2, v3  }
0x1f: {  	v2 =	vld [tilespmem:s8+$0x800];
	[tilespmem:s6+$0x1800] =	vst v3;
	s6 =	smov.u32 s8  }
0x20: {  	_ =	sdelay $0x2  }
0x21: {  	v0 =	vshll.u32 v1, $0xA  }
0x22: {  	s30 =	simm.s32 $0x800;
	v0 =	vadd.s32 v2, v0  }
0x23: {  	s7 =	simm.s32 $0x1800;
	s8 =	simm.s32 $0x1000;
	s31 =	simm.s32 $0x1;
	[tilespmem:s6+$0x1800] =	vst v0  }
0x24: {  	[spmem:s2] =	stream.indirect.scatter.add.f32 [tilespmem:s8], [sflag:$0x1], $0x1, s7, s30, $0xb8;
	[tilespmem:$0x12000] =	vst v63  }
0x25: {  	_ =	swait.ge [sflag:s31], $0x800  }
0x26: {  	[sflag:s31] =	ssyncset.done $0x0  }
0x27: {  	[sflag:s31] =	ssyncadd.s32 $0xFFFFF800  }
0x28: {  	[bflag:$0x0] =	sbarrier.arrive $0xFFFF  }
0x29: {  	[hbm:s4], [sflag:s3] =	dma.local [spmem:s5], $0x2000  }
0x2a: {  	_ =	swait.ge [sflag:s31], $0x2000  }
0x2b: {  	[sflag:s31] =	ssyncset.done $0x0  }
0x2c: {  	[sflag:s31] =	ssyncadd.s32 $0xFFFFE000  }
.LBB2_4:
0x2d: {  	_ =	sfence.sel $0x180000  }
0x2e: {  	[bflag:$0x0] =	sbarrier.arrive $0xFFFF  }
0x2f: {  	p0 =	sne.s32 s1, $0x0;
	_ =	strace $0x90000047  }
0x30: {  	s0 =	sadd.s32 @!p0 $0x100000, s0;
	[bflag:$0x2] =	sbarrier.arrive $0xFFFF  }
0x31: {  	[sflag:s0] =	ssyncadd.tile.s32 @!p0 $0x1;
	_ =	shalt  }
.Lfunc_end2:
_tile_overlayer_lowered:
.L_overlay_start_2:
0x32: {  	(tag) =	ssettag $0x2  }
0x33: {  	s0 =	rddreg [dreg:$0x0];
	s2 =	stileid.u32  }
0x34: {  	s1 =	rddreg [dreg:$0x1];
	p0 =	sne.s32 s2, $0x0  }
0x35: {  	s3 =	rddreg [dreg:$0x2];
	[bflag:$0x3] =	sbarrier.arrive $0xFFFF;
	s2 =	simm.s32 @!p0 $0x1C01  }
0x36: {  	[timem:s3], [sflag:s2] =	dma.local @!p0 [hbm:s0], s1  }
0x37: {  	s0 =	simm.s32 @!p0 $0x1  }
0x38: {  	_ =	swait.ge @!p0 [sflag:s0], s1  }
0x39: {  	s1 =	ssub.s32 @!p0 $0x0, s1;
	[sflag:s0] =	ssyncset.done @!p0 $0x0  }
0x3a: {  	[sflag:s0] =	ssyncadd.s32 @!p0 s1  }
0x3b: {  	[bflag:$0x3] =	sbarrier.arrive $0xFFFF  }
0x3c: {  	_ =	shalt  }

</sc_bundles>
